<compile_context>
chip_gen: v7x
topology: tpu7x:2x2x1
jax: 0.10.2.dev20260603
libtpu: 0.0.44.dev20260713+nightly
codegen_flags: <defaults>
</compile_context>

<pallas_src>
import functools
import jax
import jax.numpy as jnp
from jax import lax
from jax.experimental import pallas as pl
from jax.experimental.pallas import tpu as pltpu
from jax.experimental.pallas import tpu_sc as plsc

_NUM_WORKERS = 32
_LANES = 16


@functools.partial(jax.jit, static_argnames=("seq_len", "num_visits"))
def _build_h(visit_boundaries, *, seq_len, num_visits):
    num_b = visit_boundaries.shape[0]
    rows_per_w = seq_len // _NUM_WORKERS
    groups = rows_per_w // _LANES
    mesh = plsc.VectorSubcoreMesh(core_axis_name="c", subcore_axis_name="s")

    @functools.partial(
        pl.kernel,
        out_type=jax.ShapeDtypeStruct((seq_len, num_visits), jnp.float32),
        mesh=mesh,
        scratch_types=[
            pltpu.VMEM((num_b,), jnp.int32),
            pltpu.VMEM((rows_per_w, num_visits), jnp.float32),
            pltpu.SemaphoreType.DMA,
        ],
        compiler_params=pltpu.CompilerParams(needs_layout_passes=False),
    )
    def k(vb_hbm, out_hbm, vb, buf, sem):
        wid = lax.axis_index("s") * 2 + lax.axis_index("c")
        vb_copy = pltpu.async_copy(vb_hbm, vb, sem)

        lane = lax.iota(jnp.int32, _LANES)
        zeros = jnp.zeros((_LANES,), jnp.float32)
        n_full = num_visits // _LANES
        col_starts = [c * _LANES for c in range(n_full)]
        if num_visits % _LANES:
            col_starts.append(num_visits - _LANES)

        row_unroll = 4

        def zero_body(i, carry):
            r0 = i * row_unroll
            for u in range(row_unroll):
                row = jnp.full((_LANES,), u, jnp.int32) + r0
                for c in col_starts:
                    plsc.store_scatter(buf, [row, c + lane], zeros)
            return carry

        lax.fori_loop(0, rows_per_w // row_unroll, zero_body, 0)
        vb_copy.wait()

        base = wid * rows_per_w
        ones = jnp.ones((_LANES,), jnp.float32)

        def group_body(g, carry):
            local = g * _LANES + lane
            r = base + local
            pos = jnp.zeros((_LANES,), jnp.int32)
            s = num_b // 2
            while s >= 1:
                val = plsc.load_gather(vb, [pos + (s - 1)])
                pos = jnp.where(val <= r, pos + s, pos)
                s //= 2
            val = plsc.load_gather(vb, [pos])
            pos = jnp.where(val <= r, pos + 1, pos)
            plsc.store_scatter(buf, [local, pos], ones)
            return carry

        lax.fori_loop(0, groups, group_body, 0)

        pltpu.sync_copy(buf, out_hbm.at[pl.ds(wid * rows_per_w, rows_per_w)])

    return k(visit_boundaries)


def kernel(X, visit_boundaries):
    seq_len = X.shape[0]
    num_visits = visit_boundaries.shape[0] + 1
    return _build_h(
        visit_boundaries.astype(jnp.int32), seq_len=seq_len, num_visits=num_visits
    ).astype(X.dtype)

# --- scband reference (transcript-rebuilt; emitter-appended) ---
"""Pipeline reference for scband-hypergraph-builder-29970281792066 (READ-ONLY COPY).

The authoritative reference and input builder live on the scoring server;
editing this copy changes nothing except your own understanding.
"""

import jax, jax.numpy as jnp
import numpy as np


def setup_inputs(seed: int = 0) -> dict:
    key = jax.random.key(seed)
    k1, k2 = jax.random.split(key)
    X = jax.random.normal(k1, (4096, 256), dtype=jnp.float32)
    visit_boundaries = jnp.sort(jax.random.randint(k2, (128,), 0, 4096))
    return {"X": X, "visit_boundaries": visit_boundaries}


def reference(X, visit_boundaries):
    # Faithful translation of HypergraphBuilder.forward with visit_boundaries given.
    # Row i belongs to visit v where v = number of boundaries <= i
    # (matches the torch loop H[prev:boundary, visit_idx] = 1.0, incl. duplicate
    #  boundaries producing empty visits and the trailing H[prev:, -1] = 1.0).
    seq_len = X.shape[0]
    num_visits = visit_boundaries.shape[0] + 1
    rows = jnp.arange(seq_len)
    visit_idx = jnp.searchsorted(visit_boundaries, rows, side='right')
    H = jax.nn.one_hot(visit_idx, num_visits, dtype=X.dtype)
    return H

if __name__ == "__main__":
    import jax
    _d = setup_inputs()
    print(jax.jit(kernel)(*tuple(_d.values())))

</pallas_src>

<mosaic_0001>
#map = affine_map<(d0, d1) -> (0)>
#map1 = affine_map<(d0, d1) -> (0, 0)>
module attributes {stable_mosaic.version = 14 : i64} {
  func.func @k(%arg0: i32, %arg1: i32, %arg2: memref<128xi32, #tpu.memory_space<hbm>>, %arg3: memref<4096x129xf32, #tpu.memory_space<hbm>>, %arg4: memref<128xi32, #tpu.memory_space<vmem>>, %arg5: memref<128x129xf32, #tpu.memory_space<vmem>>, %arg6: memref<!tpu.dma_semaphore, #tpu.memory_space<semaphore_mem>>) attributes {dimension_semantics = [#tpu.dimension_semantics<core_parallel>, #tpu.dimension_semantics<subcore_parallel>], iteration_bounds = array<i64: 2, 16>, scalar_prefetch = 0 : i64, scratch_operands = 3 : i64, tpu.core_type = #tpu.core_type<sc_vector_subcore>, window_params = [{transform_indices = #map}, {transform_indices = #map1}]} {
    %mul3A = arith.constant 2 : i32
    %mul3A_0 = arith.muli %arg1, %mul3A : i32
    %add3A = arith.addi %mul3A_0, %arg0 : i32
    tpu.enqueue_dma source(%arg2 : memref<128xi32, #tpu.memory_space<hbm>>) target(%arg4 : memref<128xi32, #tpu.memory_space<vmem>>) target_semaphore(%arg6 : memref<!tpu.dma_semaphore, #tpu.memory_space<semaphore_mem>>)
    %iota3A = tpu.iota {dimensions = array<i32: 0>} : vector<16xi32>
    %broadcast_in_dim3A = arith.constant 0.000000e+00 : f32
    %broadcast_in_dim3A_1 = vector.broadcast %broadcast_in_dim3A : f32 to vector<16xf32>
    %scan3A = arith.constant 0 : i32
    %scan3A_2 = arith.constant 0 : i32
    %scan3A_3 = arith.constant 32 : i32
    %scan3A_4 = arith.addi %scan3A_2, %scan3A_3 : i32
    %scan3A_5 = arith.constant 1 : i32
    scf.for %scan3A_19 = %scan3A_2 to %scan3A_4 step %scan3A_5  : i32 {
      %mul3A_20 = arith.constant 4 : i32
      %mul3A_21 = arith.muli %scan3A_19, %mul3A_20 : i32
      %broadcast_in_dim3A_22 = arith.constant 0 : i32
      %broadcast_in_dim3A_23 = vector.broadcast %broadcast_in_dim3A_22 : i32 to vector<16xi32>
      %add3A_24 = vector.broadcast %mul3A_21 : i32 to vector<16xi32>
      %add3A_25 = arith.addi %broadcast_in_dim3A_23, %add3A_24 : vector<16xi32>
      %add3A_26 = arith.constant 0 : i32
      %add3A_27 = vector.broadcast %add3A_26 : i32 to vector<16xi32>
      %add3A_28 = arith.addi %add3A_27, %iota3A : vector<16xi32>
      tpu.vector_store_idx %arg5[%add3A_25, %add3A_28], %broadcast_in_dim3A_1 : memref<128x129xf32, #tpu.memory_space<vmem>>[vector<16xi32>, vector<16xi32>], vector<16xf32>,
      %add3A_29 = arith.constant 16 : i32
      %add3A_30 = vector.broadcast %add3A_29 : i32 to vector<16xi32>
      %add3A_31 = arith.addi %add3A_30, %iota3A : vector<16xi32>
      tpu.vector_store_idx %arg5[%add3A_25, %add3A_31], %broadcast_in_dim3A_1 : memref<128x129xf32, #tpu.memory_space<vmem>>[vector<16xi32>, vector<16xi32>], vector<16xf32>,
      %add3A_32 = arith.constant 32 : i32
      %add3A_33 = vector.broadcast %add3A_32 : i32 to vector<16xi32>
      %add3A_34 = arith.addi %add3A_33, %iota3A : vector<16xi32>
      tpu.vector_store_idx %arg5[%add3A_25, %add3A_34], %broadcast_in_dim3A_1 : memref<128x129xf32, #tpu.memory_space<vmem>>[vector<16xi32>, vector<16xi32>], vector<16xf32>,
      %add3A_35 = arith.constant 48 : i32
      %add3A_36 = vector.broadcast %add3A_35 : i32 to vector<16xi32>
      %add3A_37 = arith.addi %add3A_36, %iota3A : vector<16xi32>
      tpu.vector_store_idx %arg5[%add3A_25, %add3A_37], %broadcast_in_dim3A_1 : memref<128x129xf32, #tpu.memory_space<vmem>>[vector<16xi32>, vector<16xi32>], vector<16xf32>,
      %add3A_38 = arith.constant 64 : i32
      %add3A_39 = vector.broadcast %add3A_38 : i32 to vector<16xi32>
      %add3A_40 = arith.addi %add3A_39, %iota3A : vector<16xi32>
      tpu.vector_store_idx %arg5[%add3A_25, %add3A_40], %broadcast_in_dim3A_1 : memref<128x129xf32, #tpu.memory_space<vmem>>[vector<16xi32>, vector<16xi32>], vector<16xf32>,
      %add3A_41 = arith.constant 80 : i32
      %add3A_42 = vector.broadcast %add3A_41 : i32 to vector<16xi32>
      %add3A_43 = arith.addi %add3A_42, %iota3A : vector<16xi32>
      tpu.vector_store_idx %arg5[%add3A_25, %add3A_43], %broadcast_in_dim3A_1 : memref<128x129xf32, #tpu.memory_space<vmem>>[vector<16xi32>, vector<16xi32>], vector<16xf32>,
      %add3A_44 = arith.constant 96 : i32
      %add3A_45 = vector.broadcast %add3A_44 : i32 to vector<16xi32>
      %add3A_46 = arith.addi %add3A_45, %iota3A : vector<16xi32>
      tpu.vector_store_idx %arg5[%add3A_25, %add3A_46], %broadcast_in_dim3A_1 : memref<128x129xf32, #tpu.memory_space<vmem>>[vector<16xi32>, vector<16xi32>], vector<16xf32>,
      %add3A_47 = arith.constant 112 : i32
      %add3A_48 = vector.broadcast %add3A_47 : i32 to vector<16xi32>
      %add3A_49 = arith.addi %add3A_48, %iota3A : vector<16xi32>
      tpu.vector_store_idx %arg5[%add3A_25, %add3A_49], %broadcast_in_dim3A_1 : memref<128x129xf32, #tpu.memory_space<vmem>>[vector<16xi32>, vector<16xi32>], vector<16xf32>,
      %add3A_50 = arith.constant 113 : i32
      %add3A_51 = vector.broadcast %add3A_50 : i32 to vector<16xi32>
      %add3A_52 = arith.addi %add3A_51, %iota3A : vector<16xi32>
      tpu.vector_store_idx %arg5[%add3A_25, %add3A_52], %broadcast_in_dim3A_1 : memref<128x129xf32, #tpu.memory_space<vmem>>[vector<16xi32>, vector<16xi32>], vector<16xf32>,
      %broadcast_in_dim3A_53 = arith.constant 1 : i32
      %broadcast_in_dim3A_54 = vector.broadcast %broadcast_in_dim3A_53 : i32 to vector<16xi32>
      %add3A_55 = vector.broadcast %mul3A_21 : i32 to vector<16xi32>
      %add3A_56 = arith.addi %broadcast_in_dim3A_54, %add3A_55 : vector<16xi32>
      %add3A_57 = arith.constant 0 : i32
      %add3A_58 = vector.broadcast %add3A_57 : i32 to vector<16xi32>
      %add3A_59 = arith.addi %add3A_58, %iota3A : vector<16xi32>
      tpu.vector_store_idx %arg5[%add3A_56, %add3A_59], %broadcast_in_dim3A_1 : memref<128x129xf32, #tpu.memory_space<vmem>>[vector<16xi32>, vector<16xi32>], vector<16xf32>,
      %add3A_60 = arith.constant 16 : i32
      %add3A_61 = vector.broadcast %add3A_60 : i32 to vector<16xi32>
      %add3A_62 = arith.addi %add3A_61, %iota3A : vector<16xi32>
      tpu.vector_store_idx %arg5[%add3A_56, %add3A_62], %broadcast_in_dim3A_1 : memref<128x129xf32, #tpu.memory_space<vmem>>[vector<16xi32>, vector<16xi32>], vector<16xf32>,
      %add3A_63 = arith.constant 32 : i32
      %add3A_64 = vector.broadcast %add3A_63 : i32 to vector<16xi32>
      %add3A_65 = arith.addi %add3A_64, %iota3A : vector<16xi32>
      tpu.vector_store_idx %arg5[%add3A_56, %add3A_65], %broadcast_in_dim3A_1 : memref<128x129xf32, #tpu.memory_space<vmem>>[vector<16xi32>, vector<16xi32>], vector<16xf32>,
      %add3A_66 = arith.constant 48 : i32
      %add3A_67 = vector.broadcast %add3A_66 : i32 to vector<16xi32>
      %add3A_68 = arith.addi %add3A_67, %iota3A : vector<16xi32>
      tpu.vector_store_idx %arg5[%add3A_56, %add3A_68], %broadcast_in_dim3A_1 : memref<128x129xf32, #tpu.memory_space<vmem>>[vector<16xi32>, vector<16xi32>], vector<16xf32>,
      %add3A_69 = arith.constant 64 : i32
      %add3A_70 = vector.broadcast %add3A_69 : i32 to vector<16xi32>
      %add3A_71 = arith.addi %add3A_70, %iota3A : vector<16xi32>
      tpu.vector_store_idx %arg5[%add3A_56, %add3A_71], %broadcast_in_dim3A_1 : memref<128x129xf32, #tpu.memory_space<vmem>>[vector<16xi32>, vector<16xi32>], vector<16xf32>,
      %add3A_72 = arith.constant 80 : i32
      %add3A_73 = vector.broadcast %add3A_72 : i32 to vector<16xi32>
      %add3A_74 = arith.addi %add3A_73, %iota3A : vector<16xi32>
      tpu.vector_store_idx %arg5[%add3A_56, %add3A_74], %broadcast_in_dim3A_1 : memref<128x129xf32, #tpu.memory_space<vmem>>[vector<16xi32>, vector<16xi32>], vector<16xf32>,
      %add3A_75 = arith.constant 96 : i32
      %add3A_76 = vector.broadcast %add3A_75 : i32 to vector<16xi32>
      %add3A_77 = arith.addi %add3A_76, %iota3A : vector<16xi32>
      tpu.vector_store_idx %arg5[%add3A_56, %add3A_77], %broadcast_in_dim3A_1 : memref<128x129xf32, #tpu.memory_space<vmem>>[vector<16xi32>, vector<16xi32>], vector<16xf32>,
      %add3A_78 = arith.constant 112 : i32
      %add3A_79 = vector.broadcast %add3A_78 : i32 to vector<16xi32>
      %add3A_80 = arith.addi %add3A_79, %iota3A : vector<16xi32>
      tpu.vector_store_idx %arg5[%add3A_56, %add3A_80], %broadcast_in_dim3A_1 : memref<128x129xf32, #tpu.memory_space<vmem>>[vector<16xi32>, vector<16xi32>], vector<16xf32>,
      %add3A_81 = arith.constant 113 : i32
      %add3A_82 = vector.broadcast %add3A_81 : i32 to vector<16xi32>
      %add3A_83 = arith.addi %add3A_82, %iota3A : vector<16xi32>
      tpu.vector_store_idx %arg5[%add3A_56, %add3A_83], %broadcast_in_dim3A_1 : memref<128x129xf32, #tpu.memory_space<vmem>>[vector<16xi32>, vector<16xi32>], vector<16xf32>,
      %broadcast_in_dim3A_84 = arith.constant 2 : i32
      %broadcast_in_dim3A_85 = vector.broadcast %broadcast_in_dim3A_84 : i32 to vector<16xi32>
      %add3A_86 = vector.broadcast %mul3A_21 : i32 to vector<16xi32>
      %add3A_87 = arith.addi %broadcast_in_dim3A_85, %add3A_86 : vector<16xi32>
      %add3A_88 = arith.constant 0 : i32
      %add3A_89 = vector.broadcast %add3A_88 : i32 to vector<16xi32>
      %add3A_90 = arith.addi %add3A_89, %iota3A : vector<16xi32>
      tpu.vector_store_idx %arg5[%add3A_87, %add3A_90], %broadcast_in_dim3A_1 : memref<128x129xf32, #tpu.memory_space<vmem>>[vector<16xi32>, vector<16xi32>], vector<16xf32>,
      %add3A_91 = arith.constant 16 : i32
      %add3A_92 = vector.broadcast %add3A_91 : i32 to vector<16xi32>
      %add3A_93 = arith.addi %add3A_92, %iota3A : vector<16xi32>
      tpu.vector_store_idx %arg5[%add3A_87, %add3A_93], %broadcast_in_dim3A_1 : memref<128x129xf32, #tpu.memory_space<vmem>>[vector<16xi32>, vector<16xi32>], vector<16xf32>,
      %add3A_94 = arith.constant 32 : i32
      %add3A_95 = vector.broadcast %add3A_94 : i32 to vector<16xi32>
      %add3A_96 = arith.addi %add3A_95, %iota3A : vector<16xi32>
      tpu.vector_store_idx %arg5[%add3A_87, %add3A_96], %broadcast_in_dim3A_1 : memref<128x129xf32, #tpu.memory_space<vmem>>[vector<16xi32>, vector<16xi32>], vector<16xf32>,
      %add3A_97 = arith.constant 48 : i32
      %add3A_98 = vector.broadcast %add3A_97 : i32 to vector<16xi32>
      %add3A_99 = arith.addi %add3A_98, %iota3A : vector<16xi32>
      tpu.vector_store_idx %arg5[%add3A_87, %add3A_99], %broadcast_in_dim3A_1 : memref<128x129xf32, #tpu.memory_space<vmem>>[vector<16xi32>, vector<16xi32>], vector<16xf32>,
      %add3A_100 = arith.constant 64 : i32
      %add3A_101 = vector.broadcast %add3A_100 : i32 to vector<16xi32>
      %add3A_102 = arith.addi %add3A_101, %iota3A : vector<16xi32>
      tpu.vector_store_idx %arg5[%add3A_87, %add3A_102], %broadcast_in_dim3A_1 : memref<128x129xf32, #tpu.memory_space<vmem>>[vector<16xi32>, vector<16xi32>], vector<16xf32>,
      %add3A_103 = arith.constant 80 : i32
      %add3A_104 = vector.broadcast %add3A_103 : i32 to vector<16xi32>
      %add3A_105 = arith.addi %add3A_104, %iota3A : vector<16xi32>
      tpu.vector_store_idx %arg5[%add3A_87, %add3A_105], %broadcast_in_dim3A_1 : memref<128x129xf32, #tpu.memory_space<vmem>>[vector<16xi32>, vector<16xi32>], vector<16xf32>,
      %add3A_106 = arith.constant 96 : i32
      %add3A_107 = vector.broadcast %add3A_106 : i32 to vector<16xi32>
      %add3A_108 = arith.addi %add3A_107, %iota3A : vector<16xi32>
      tpu.vector_store_idx %arg5[%add3A_87, %add3A_108], %broadcast_in_dim3A_1 : memref<128x129xf32, #tpu.memory_space<vmem>>[vector<16xi32>, vector<16xi32>], vector<16xf32>,
      %add3A_109 = arith.constant 112 : i32
      %add3A_110 = vector.broadcast %add3A_109 : i32 to vector<16xi32>
      %add3A_111 = arith.addi %add3A_110, %iota3A : vector<16xi32>
      tpu.vector_store_idx %arg5[%add3A_87, %add3A_111], %broadcast_in_dim3A_1 : memref<128x129xf32, #tpu.memory_space<vmem>>[vector<16xi32>, vector<16xi32>], vector<16xf32>,
      %add3A_112 = arith.constant 113 : i32
      %add3A_113 = vector.broadcast %add3A_112 : i32 to vector<16xi32>
      %add3A_114 = arith.addi %add3A_113, %iota3A : vector<16xi32>
      tpu.vector_store_idx %arg5[%add3A_87, %add3A_114], %broadcast_in_dim3A_1 : memref<128x129xf32, #tpu.memory_space<vmem>>[vector<16xi32>, vector<16xi32>], vector<16xf32>,
      %broadcast_in_dim3A_115 = arith.constant 3 : i32
      %broadcast_in_dim3A_116 = vector.broadcast %broadcast_in_dim3A_115 : i32 to vector<16xi32>
      %add3A_117 = vector.broadcast %mul3A_21 : i32 to vector<16xi32>
      %add3A_118 = arith.addi %broadcast_in_dim3A_116, %add3A_117 : vector<16xi32>
      %add3A_119 = arith.constant 0 : i32
      %add3A_120 = vector.broadcast %add3A_119 : i32 to vector<16xi32>
      %add3A_121 = arith.addi %add3A_120, %iota3A : vector<16xi32>
      tpu.vector_store_idx %arg5[%add3A_118, %add3A_121], %broadcast_in_dim3A_1 : memref<128x129xf32, #tpu.memory_space<vmem>>[vector<16xi32>, vector<16xi32>], vector<16xf32>,
      %add3A_122 = arith.constant 16 : i32
      %add3A_123 = vector.broadcast %add3A_122 : i32 to vector<16xi32>
      %add3A_124 = arith.addi %add3A_123, %iota3A : vector<16xi32>
      tpu.vector_store_idx %arg5[%add3A_118, %add3A_124], %broadcast_in_dim3A_1 : memref<128x129xf32, #tpu.memory_space<vmem>>[vector<16xi32>, vector<16xi32>], vector<16xf32>,
      %add3A_125 = arith.constant 32 : i32
      %add3A_126 = vector.broadcast %add3A_125 : i32 to vector<16xi32>
      %add3A_127 = arith.addi %add3A_126, %iota3A : vector<16xi32>
      tpu.vector_store_idx %arg5[%add3A_118, %add3A_127], %broadcast_in_dim3A_1 : memref<128x129xf32, #tpu.memory_space<vmem>>[vector<16xi32>, vector<16xi32>], vector<16xf32>,
      %add3A_128 = arith.constant 48 : i32
      %add3A_129 = vector.broadcast %add3A_128 : i32 to vector<16xi32>
      %add3A_130 = arith.addi %add3A_129, %iota3A : vector<16xi32>
      tpu.vector_store_idx %arg5[%add3A_118, %add3A_130], %broadcast_in_dim3A_1 : memref<128x129xf32, #tpu.memory_space<vmem>>[vector<16xi32>, vector<16xi32>], vector<16xf32>,
      %add3A_131 = arith.constant 64 : i32
      %add3A_132 = vector.broadcast %add3A_131 : i32 to vector<16xi32>
      %add3A_133 = arith.addi %add3A_132, %iota3A : vector<16xi32>
      tpu.vector_store_idx %arg5[%add3A_118, %add3A_133], %broadcast_in_dim3A_1 : memref<128x129xf32, #tpu.memory_space<vmem>>[vector<16xi32>, vector<16xi32>], vector<16xf32>,
      %add3A_134 = arith.constant 80 : i32
      %add3A_135 = vector.broadcast %add3A_134 : i32 to vector<16xi32>
      %add3A_136 = arith.addi %add3A_135, %iota3A : vector<16xi32>
      tpu.vector_store_idx %arg5[%add3A_118, %add3A_136], %broadcast_in_dim3A_1 : memref<128x129xf32, #tpu.memory_space<vmem>>[vector<16xi32>, vector<16xi32>], vector<16xf32>,
      %add3A_137 = arith.constant 96 : i32
      %add3A_138 = vector.broadcast %add3A_137 : i32 to vector<16xi32>
      %add3A_139 = arith.addi %add3A_138, %iota3A : vector<16xi32>
      tpu.vector_store_idx %arg5[%add3A_118, %add3A_139], %broadcast_in_dim3A_1 : memref<128x129xf32, #tpu.memory_space<vmem>>[vector<16xi32>, vector<16xi32>], vector<16xf32>,
      %add3A_140 = arith.constant 112 : i32
      %add3A_141 = vector.broadcast %add3A_140 : i32 to vector<16xi32>
      %add3A_142 = arith.addi %add3A_141, %iota3A : vector<16xi32>
      tpu.vector_store_idx %arg5[%add3A_118, %add3A_142], %broadcast_in_dim3A_1 : memref<128x129xf32, #tpu.memory_space<vmem>>[vector<16xi32>, vector<16xi32>], vector<16xf32>,
      %add3A_143 = arith.constant 113 : i32
      %add3A_144 = vector.broadcast %add3A_143 : i32 to vector<16xi32>
      %add3A_145 = arith.addi %add3A_144, %iota3A : vector<16xi32>
      tpu.vector_store_idx %arg5[%add3A_118, %add3A_145], %broadcast_in_dim3A_1 : memref<128x129xf32, #tpu.memory_space<vmem>>[vector<16xi32>, vector<16xi32>], vector<16xf32>,
    }
    %scan3A_6 = arith.constant 32 : i32
    tpu.wait_dma2 semaphore(%arg6 : memref<!tpu.dma_semaphore, #tpu.memory_space<semaphore_mem>>) src(%arg2 : memref<128xi32, #tpu.memory_space<hbm>>) dst(%arg4 : memref<128xi32, #tpu.memory_space<vmem>>)
    %mul3A_7 = arith.constant 128 : i32
    %mul3A_8 = arith.muli %add3A, %mul3A_7 : i32
    %broadcast_in_dim3A_9 = arith.constant 1.000000e+00 : f32
    %broadcast_in_dim3A_10 = vector.broadcast %broadcast_in_dim3A_9 : f32 to vector<16xf32>
    %scan3A_11 = arith.constant 0 : i32
    %scan3A_12 = arith.constant 0 : i32
    %scan3A_13 = arith.constant 8 : i32
    %scan3A_14 = arith.addi %scan3A_12, %scan3A_13 : i32
    %scan3A_15 = arith.constant 1 : i32
    scf.for %scan3A_19 = %scan3A_12 to %scan3A_14 step %scan3A_15  : i32 {
      %mul3A_20 = arith.constant 16 : i32
      %mul3A_21 = arith.muli %scan3A_19, %mul3A_20 : i32
      %add3A_22 = vector.broadcast %mul3A_21 : i32 to vector<16xi32>
      %add3A_23 = arith.addi %add3A_22, %iota3A : vector<16xi32>
      %add3A_24 = vector.broadcast %mul3A_8 : i32 to vector<16xi32>
      %add3A_25 = arith.addi %add3A_24, %add3A_23 : vector<16xi32>
      %broadcast_in_dim3A_26 = arith.constant 0 : i32
      %broadcast_in_dim3A_27 = vector.broadcast %broadcast_in_dim3A_26 : i32 to vector<16xi32>
      %add3A_28 = arith.constant 63 : i32
      %add3A_29 = vector.broadcast %add3A_28 : i32 to vector<16xi32>
      %add3A_30 = arith.addi %broadcast_in_dim3A_27, %add3A_29 : vector<16xi32>
      %gather3A = tpu.vector_load_idx %arg4[%add3A_30] : memref<128xi32, #tpu.memory_space<vmem>>[vector<16xi32>], vector<16xi32>,
      %le3A = arith.cmpi sle, %gather3A, %add3A_25 : vector<16xi32>
      %add3A_31 = arith.constant 64 : i32
      %add3A_32 = vector.broadcast %add3A_31 : i32 to vector<16xi32>
      %add3A_33 = arith.addi %broadcast_in_dim3A_27, %add3A_32 : vector<16xi32>
      %select_n3A = arith.select %le3A, %add3A_33, %broadcast_in_dim3A_27 : vector<16xi1>, vector<16xi32>
      %add3A_34 = arith.constant 31 : i32
      %add3A_35 = vector.broadcast %add3A_34 : i32 to vector<16xi32>
      %add3A_36 = arith.addi %select_n3A, %add3A_35 : vector<16xi32>
      %gather3A_37 = tpu.vector_load_idx %arg4[%add3A_36] : memref<128xi32, #tpu.memory_space<vmem>>[vector<16xi32>], vector<16xi32>,
      %le3A_38 = arith.cmpi sle, %gather3A_37, %add3A_25 : vector<16xi32>
      %add3A_39 = arith.constant 32 : i32
      %add3A_40 = vector.broadcast %add3A_39 : i32 to vector<16xi32>
      %add3A_41 = arith.addi %select_n3A, %add3A_40 : vector<16xi32>
      %select_n3A_42 = arith.select %le3A_38, %add3A_41, %select_n3A : vector<16xi1>, vector<16xi32>
      %add3A_43 = arith.constant 15 : i32
      %add3A_44 = vector.broadcast %add3A_43 : i32 to vector<16xi32>
      %add3A_45 = arith.addi %select_n3A_42, %add3A_44 : vector<16xi32>
      %gather3A_46 = tpu.vector_load_idx %arg4[%add3A_45] : memref<128xi32, #tpu.memory_space<vmem>>[vector<16xi32>], vector<16xi32>,
      %le3A_47 = arith.cmpi sle, %gather3A_46, %add3A_25 : vector<16xi32>
      %add3A_48 = arith.constant 16 : i32
      %add3A_49 = vector.broadcast %add3A_48 : i32 to vector<16xi32>
      %add3A_50 = arith.addi %select_n3A_42, %add3A_49 : vector<16xi32>
      %select_n3A_51 = arith.select %le3A_47, %add3A_50, %select_n3A_42 : vector<16xi1>, vector<16xi32>
      %add3A_52 = arith.constant 7 : i32
      %add3A_53 = vector.broadcast %add3A_52 : i32 to vector<16xi32>
      %add3A_54 = arith.addi %select_n3A_51, %add3A_53 : vector<16xi32>
      %gather3A_55 = tpu.vector_load_idx %arg4[%add3A_54] : memref<128xi32, #tpu.memory_space<vmem>>[vector<16xi32>], vector<16xi32>,
      %le3A_56 = arith.cmpi sle, %gather3A_55, %add3A_25 : vector<16xi32>
      %add3A_57 = arith.constant 8 : i32
      %add3A_58 = vector.broadcast %add3A_57 : i32 to vector<16xi32>
      %add3A_59 = arith.addi %select_n3A_51, %add3A_58 : vector<16xi32>
      %select_n3A_60 = arith.select %le3A_56, %add3A_59, %select_n3A_51 : vector<16xi1>, vector<16xi32>
      %add3A_61 = arith.constant 3 : i32
      %add3A_62 = vector.broadcast %add3A_61 : i32 to vector<16xi32>
      %add3A_63 = arith.addi %select_n3A_60, %add3A_62 : vector<16xi32>
      %gather3A_64 = tpu.vector_load_idx %arg4[%add3A_63] : memref<128xi32, #tpu.memory_space<vmem>>[vector<16xi32>], vector<16xi32>,
      %le3A_65 = arith.cmpi sle, %gather3A_64, %add3A_25 : vector<16xi32>
      %add3A_66 = arith.constant 4 : i32
      %add3A_67 = vector.broadcast %add3A_66 : i32 to vector<16xi32>
      %add3A_68 = arith.addi %select_n3A_60, %add3A_67 : vector<16xi32>
      %select_n3A_69 = arith.select %le3A_65, %add3A_68, %select_n3A_60 : vector<16xi1>, vector<16xi32>
      %add3A_70 = arith.constant 1 : i32
      %add3A_71 = vector.broadcast %add3A_70 : i32 to vector<16xi32>
      %add3A_72 = arith.addi %select_n3A_69, %add3A_71 : vector<16xi32>
      %gather3A_73 = tpu.vector_load_idx %arg4[%add3A_72] : memref<128xi32, #tpu.memory_space<vmem>>[vector<16xi32>], vector<16xi32>,
      %le3A_74 = arith.cmpi sle, %gather3A_73, %add3A_25 : vector<16xi32>
      %add3A_75 = arith.constant 2 : i32
      %add3A_76 = vector.broadcast %add3A_75 : i32 to vector<16xi32>
      %add3A_77 = arith.addi %select_n3A_69, %add3A_76 : vector<16xi32>
      %select_n3A_78 = arith.select %le3A_74, %add3A_77, %select_n3A_69 : vector<16xi1>, vector<16xi32>
      %add3A_79 = arith.constant 0 : i32
      %add3A_80 = vector.broadcast %add3A_79 : i32 to vector<16xi32>
      %add3A_81 = arith.addi %select_n3A_78, %add3A_80 : vector<16xi32>
      %gather3A_82 = tpu.vector_load_idx %arg4[%add3A_81] : memref<128xi32, #tpu.memory_space<vmem>>[vector<16xi32>], vector<16xi32>,
      %le3A_83 = arith.cmpi sle, %gather3A_82, %add3A_25 : vector<16xi32>
      %add3A_84 = arith.constant 1 : i32
      %add3A_85 = vector.broadcast %add3A_84 : i32 to vector<16xi32>
      %add3A_86 = arith.addi %select_n3A_78, %add3A_85 : vector<16xi32>
      %select_n3A_87 = arith.select %le3A_83, %add3A_86, %select_n3A_78 : vector<16xi1>, vector<16xi32>
      %gather3A_88 = tpu.vector_load_idx %arg4[%select_n3A_87] : memref<128xi32, #tpu.memory_space<vmem>>[vector<16xi32>], vector<16xi32>,
      %le3A_89 = arith.cmpi sle, %gather3A_88, %add3A_25 : vector<16xi32>
      %add3A_90 = arith.constant 1 : i32
      %add3A_91 = vector.broadcast %add3A_90 : i32 to vector<16xi32>
      %add3A_92 = arith.addi %select_n3A_87, %add3A_91 : vector<16xi32>
      %select_n3A_93 = arith.select %le3A_89, %add3A_92, %select_n3A_87 : vector<16xi1>, vector<16xi32>
      tpu.vector_store_idx %arg5[%add3A_23, %select_n3A_93], %broadcast_in_dim3A_10 : memref<128x129xf32, #tpu.memory_space<vmem>>[vector<16xi32>, vector<16xi32>], vector<16xf32>,
    }
    %scan3A_16 = arith.constant 8 : i32
    %mul3A_17 = arith.constant 128 : i32
    %mul3A_18 = arith.muli %add3A, %mul3A_17 : i32
    "tpu.region"() ({
      %run_scoped3A = tpu.sem_alloc : memref<!tpu.dma_semaphore, #tpu.memory_space<semaphore_mem>>
      %dma_start3A = arith.constant 0 : i32
      %dma_start3A_19 = tpu.memref_slice %arg3[%mul3A_18, %dma_start3A] : memref<4096x129xf32, #tpu.memory_space<hbm>> -> memref<128x129xf32, #tpu.memory_space<hbm>>
      %dma_start3A_20 = arith.constant 0 : i32
      %dma_start3A_21 = tpu.memref_slice %arg3[%mul3A_18, %dma_start3A_20] : memref<4096x129xf32, #tpu.memory_space<hbm>> -> memref<128x129xf32, #tpu.memory_space<hbm>>
      tpu.enqueue_dma source(%arg5 : memref<128x129xf32, #tpu.memory_space<vmem>>) target(%dma_start3A_21 : memref<128x129xf32, #tpu.memory_space<hbm>>) target_semaphore(%run_scoped3A : memref<!tpu.dma_semaphore, #tpu.memory_space<semaphore_mem>>)
      %dma_wait3A = arith.constant 0 : i32
      %dma_wait3A_22 = tpu.memref_slice %arg3[%mul3A_18, %dma_wait3A] : memref<4096x129xf32, #tpu.memory_space<hbm>> -> memref<128x129xf32, #tpu.memory_space<hbm>>
      %dma_wait3A_23 = arith.constant 0 : i32
      %dma_wait3A_24 = tpu.memref_slice %arg3[%mul3A_18, %dma_wait3A_23] : memref<4096x129xf32, #tpu.memory_space<hbm>> -> memref<128x129xf32, #tpu.memory_space<hbm>>
      tpu.wait_dma2 semaphore(%run_scoped3A : memref<!tpu.dma_semaphore, #tpu.memory_space<semaphore_mem>>) src(%arg5 : memref<128x129xf32, #tpu.memory_space<vmem>>) dst(%dma_wait3A_24 : memref<128x129xf32, #tpu.memory_space<hbm>>)
      tpu.yield
    }) : () -> ()
    return
  }
}

</mosaic_0001>

<sc_bundles>
// kernel: _build_h.3.cloned.1.call-start
scs
__scs_entry_jumppad:
0x0: {  	(pc) =	sbr.rel $0x88, $3  }
0x1: {  	(tag) =	ssettag $0x0;
	lr =	simm.s32 $0x1  }
0x2: {  	[smem:$0x3FA0] =	sst lr;
	_ =	strace $0xD0000000  }
0x3: {  	_ = 	snop  }
0x4: {  	_ = 	snop  }
0x5: {  	_ = 	snop  }
0x6: {  	_ = 	snop  }
0x7: {  	_ = 	snop  }
__scs_overlays_trampoline_lowered:
0x8: {  	[smem:$0x3FAF] =	sst s0  }
0x9: {  	[smem:$0x3FB0] =	sst s1  }
0xa: {  	[smem:$0x3FB1] =	sst s2  }
0xb: {  	[smem:$0x3FB2] =	sst s3  }
0xc: {  	[smem:$0x3FB3] =	sst s4  }
0xd: {  	[smem:$0x3FB4] =	sst s5  }
0xe: {  	[smem:$0x3FB5] =	sst s6  }
0xf: {  	[smem:$0x3FB6] =	sst s7  }
0x10: {  	[smem:$0x3FB7] =	sst s8  }
0x11: {  	[smem:$0x3FB8] =	sst s9;
	s0 =	simm.s32 @!p0 $0x0  }
0x12: {  	s1 =	sld [smem:$0x3F9E];
	s0 =	simm.s32 @p0 $0x1  }
0x13: {  	[smem:$0x3FB9] =	sst s0;
	s0 =	simm.s32 @!p1 $0x0  }
0x14: {  	s2 =	sld [smem:$0x3F9D];
	s0 =	simm.s32 @p1 $0x1  }
0x15: {  	[smem:$0x3FBA] =	sst s0;
	s0 =	simm.s32 @!p2 $0x0  }
0x16: {  	s3 =	sld [smem:$0x3FDB];
	s0 =	simm.s32 @p2 $0x1  }
0x17: {  	s4 =	simm.s32 $0x1BF5;
	[smem:$0x3FBC] =	sst s0  }
0x18: {  	s0 =	sld [smem:$0x3F9F];
	_ =	swait.ge [sflag:s4], $0x0  }
0x19: {  	s7 =	sld [smem:$0x3FA0]  }
0x1a: {  	s8 =	sadd.s32 $0xFFFFE003, lr  }
0x1b: {  	s9 =	sadd.s32 $0xFFFFFEF7, lr;
	s5 =	simm.s32 $0xFFFFFFFF;
	p2 =	slt.u32 s8, $0xFFFFF086  }
0x1c: {  	p1 =	slt.u32 s9, $0xF7A;
	s5 =	simm.s32 @!p2 $0x0  }
0x1d: {  	s5 =	simm.s32 @p1 $0x1;
	p0 =	seq.s32 s7, s2  }
0x1e: {  	s7 =	smul.u32 @!p0 $0xF7A, s2;
	p2 =	seq.s32 @!p0 s5, $0x0  }
0x1f: {  	s9 =	smul.u32 $0xF7A, s1;
	s8 =	simm.s32 @!p0 $0x1BF5;
	p2 =	por !p2, p0  }
0x20: {  	[sflag:s8] =	ssyncset.s32 @!p0 $0xFFFFF086;
	s6 =	sadd.s32 @!p0 s3, s7;
	s7 =	simm.s32 @!p0 $0x108  }
0x21: {  	s3 =	sadd.s32 s3, s9;
	s6 =	sadd.s32 @!p0 $0x88, s6;
	s7 =	simm.s32 @p2 $0x1082  }
0x22: {  	[simem:s7], [sflag:s8] =	dma.local @!p0 [hbm:s6], $0xF7A  }
0x23: {  	s9 =	sor.u32 $0xD0000000, s2;
	s6 =	simm.s32 $0x108;
	_ =	swait.ge @!p0 [sflag:s8], $0x0  }
0x24: {  	s3 =	sadd.s32 $0x88, s3;
	s6 =	simm.s32 @!p1 $0x1082;
	[sflag:s4] =	ssyncset.s32 $0xFFFFF086  }
0x25: {  	[simem:s6], [sflag:s4] =	dma.local [hbm:s3], $0xF7A  }
0x26: {  	[smem:$0x3FA0] =	sst s1;
	(tag) =	ssettag s2;
	_ =	strace s9  }
0x27: {  	s1 =	sld [smem:$0x3FB0]  }
0x28: {  	s2 =	sld [smem:$0x3FB1]  }
0x29: {  	s4 =	sld [smem:$0x3FB3]  }
0x2a: {  	p0 =	seq.s32 s5, $0x0;
	s5 =	sld [smem:$0x3FB4]  }
0x2b: {  	s6 =	sld [smem:$0x3FB5]  }
0x2c: {  	s7 =	sld [smem:$0x3FB6]  }
0x2d: {  	s3 =	simm.s32 $0x108;
	s8 =	sld [smem:$0x3FB7]  }
0x2e: {  	s3 =	simm.s32 @!p0 $0x1082;
	s9 =	sld [smem:$0x3FB8]  }
0x2f: {  	lr =	sadd.s32 s0, s3;
	s0 =	sld [smem:$0x3FAF]  }
0x30: {  	s3 =	sld [smem:$0x3FB2]  }
0x31: {  	[smem:$0x3FBB] =	sst s10  }
0x32: {  	s10 =	sld [smem:$0x3FB9];
	_ =	sdelay $0x3  }
0x33: {  	p0 =	seq.s32 s10, $0x1;
	s10 =	sld [smem:$0x3FBB];
	_ =	sdelay $0x3  }
0x34: {  	[smem:$0x3FBB] =	sst s10  }
0x35: {  	s10 =	sld [smem:$0x3FBA];
	_ =	sdelay $0x3  }
0x36: {  	p1 =	seq.s32 s10, $0x1;
	s10 =	sld [smem:$0x3FBB];
	_ =	sdelay $0x3  }
0x37: {  	[smem:$0x3FBB] =	sst s10  }
0x38: {  	s10 =	sld [smem:$0x3FBC]  }
0x39: {  	_ = 	snop;
	(pc) =	sbr.ind lr, $3  }
0x3a: {  	_ = 	snop  }
0x3b: {  	_ = 	snop  }
0x3c: {  	p2 =	seq.s32 s10, $0x1;
	s10 =	sld [smem:$0x3FBB]  }
0x3d: {  	_ =	shalt  }
0x3e: {  	_ =	shalt  }
0x3f: {  	_ =	shalt  }
0x40: {  	_ =	shalt  }
0x41: {  	_ =	shalt  }
0x42: {  	_ =	shalt  }
0x43: {  	_ =	shalt  }
0x44: {  	_ =	shalt  }
0x45: {  	_ =	shalt  }
0x46: {  	_ =	shalt  }
0x47: {  	_ =	shalt  }
0x48: {  	_ =	shalt  }
0x49: {  	_ =	shalt  }
0x4a: {  	_ =	shalt  }
0x4b: {  	_ =	shalt  }
0x4c: {  	_ =	shalt  }
0x4d: {  	_ =	shalt  }
0x4e: {  	_ =	shalt  }
0x4f: {  	_ =	shalt  }
0x50: {  	_ =	shalt  }
0x51: {  	_ =	shalt  }
0x52: {  	_ =	shalt  }
0x53: {  	_ =	shalt  }
0x54: {  	_ =	shalt  }
0x55: {  	_ =	shalt  }
0x56: {  	_ =	shalt  }
0x57: {  	_ =	shalt  }
0x58: {  	_ =	shalt  }
0x59: {  	_ =	shalt  }
0x5a: {  	_ =	shalt  }
0x5b: {  	_ =	shalt  }
0x5c: {  	_ =	shalt  }
0x5d: {  	_ =	shalt  }
0x5e: {  	_ =	shalt  }
0x5f: {  	_ =	shalt  }
0x60: {  	_ =	shalt  }
0x61: {  	_ =	shalt  }
0x62: {  	_ =	shalt  }
0x63: {  	_ =	shalt  }
0x64: {  	_ =	shalt  }
0x65: {  	_ =	shalt  }
0x66: {  	_ =	shalt  }
0x67: {  	_ =	shalt  }
0x68: {  	_ =	shalt  }
0x69: {  	_ =	shalt  }
0x6a: {  	_ =	shalt  }
0x6b: {  	_ =	shalt  }
0x6c: {  	_ =	shalt  }
0x6d: {  	_ =	shalt  }
0x6e: {  	_ =	shalt  }
0x6f: {  	_ =	shalt  }
0x70: {  	_ =	shalt  }
0x71: {  	_ =	shalt  }
0x72: {  	_ =	shalt  }
0x73: {  	_ =	shalt  }
0x74: {  	_ =	shalt  }
0x75: {  	_ =	shalt  }
0x76: {  	_ =	shalt  }
0x77: {  	_ =	shalt  }
0x78: {  	_ =	shalt  }
0x79: {  	_ =	shalt  }
0x7a: {  	_ =	shalt  }
0x7b: {  	_ =	shalt  }
0x7c: {  	_ =	shalt  }
0x7d: {  	_ =	shalt  }
0x7e: {  	_ =	shalt  }
0x7f: {  	_ =	shalt  }
0x80: {  	_ =	shalt  }
0x81: {  	_ =	shalt  }
0x82: {  	_ =	shalt  }
0x83: {  	_ =	shalt  }
0x84: {  	_ =	shalt  }
0x85: {  	_ =	shalt  }
0x86: {  	_ =	shalt  }
0x87: {  	_ =	shalt  }
.Lfunc_end0:
.L_simem_size_0:
called_computation_lowered:
.L_overlay_start_0:
0x88: {  	s2 =	sld [smem:$0x3FD9]  }
0x89: {  	s3 =	sld [smem:$0x3FFE];
	_ =	sdelay $0x1  }
0x8a: {  	s1 =	srdreg.scid  }
0x8b: {  	s0 =	sand.u32 $0x1, s1  }
0x8c: {  	s17 =	sshll.u32 s0, $0xA;
	s2 =	sadd.s32 s3, s2  }
0x8d: {  	s2 =	sadd.s32 s2, s17  }
0x8e: {  	[smem:$0x3FC7] =	sst s2  }
0x8f: {  	_ = 	snop  }
0x90: {  	s2 =	sld [smem:$0x3FC9];
	(tm) =	ssettm $0x1  }
0x91: {  	s18 =	sld [smem:$0x3FFB];
	_ =	sdelay $0x3  }
0x92: {  	_ =	strace s18  }
0x93: {  	s3 =	sld [smem:$0x3FFC];
	_ =	sdelay $0x3  }
0x94: {  	_ =	strace s3  }
0x95: {  	s3 =	sld [smem:$0x3FFD];
	_ =	sdelay $0x3  }
0x96: {  	_ =	strace s3  }
0x97: {  	_ =	strace $0x8FFFFFFF  }
0x98: {  	s19 =	sld [smem:$0x3FDB];
	_ =	sdelay $0x1  }
0x99: {  	s4 =	simm.s32 $_scs_section_size  }
0x9a: {  	s5 =	simm.s32 $_size__tile_overlayer_lowered;
	s6 =	simm.s32 $_tile_overlayer_lowered  }
0x9b: {  	s22 =	simm.s32 $0x1BFF;
	s21 =	sshll.u32 s6, $0x1;
	s3 =	sadd.s32 s4, s19  }
0x9c: {  	s7 =	simm.s32 $0x0;
	s20 =	sshll.u32 s5, $0x1;
	s5 =	sadd.s32 s21, s3  }
0x9d: {  	[timem:s7], [sflag:s22] =	dma.local [hbm:s5], s20  }
0x9e: {  	_ =	swait.ge [sflag:s22], s20  }
0x9f: {  	s4 =	ssub.s32 $0x0, s20;
	[sflag:s22] =	ssyncset.done $0x0  }
0xa0: {  	[sflag:s22] =	ssyncadd.s32 s4;
	_ =	sdelay $0x1  }
0xa1: {  	s23 =	simm.s32 $0x1B8B  }
0xa2: {  	_ =	swait.ge [sflag:s23], $0x1  }
0xa3: {  	[sflag:s23] =	ssyncset.done $0x0  }
0xa4: {  	s25 =	simm.s32 $0x1B8E;
	s24 =	sld [smem:$0x3FFE];
	[sflag:s23] =	ssyncadd.s32 $0xFFFFFFFF  }
0xa5: {  	s26 =	simm.s32 $execute0_lowered;
	[smem:$0x3FD2] =	sst s25  }
0xa6: {  	s5 =	sshll.u32 s26, $0x1;
	_ =	strace $0x80000046;
	[dreg:$0x1] =	wrdreg $0xFFFFFFFF  }
0xa7: {  	s28 =	simm.s32 $_size_execute0_lowered;
	s3 =	sadd.s32 s3, s5;
	[dreg:$0x0] =	wrdreg $0x0  }
0xa8: {  	s5 =	sshll.u32 s28, $0x1;
	[dreg:$0x2] =	wrdreg s3  }
0xa9: {  	[dreg:$0x3] =	wrdreg s5  }
0xaa: {  	[dreg:$0x4] =	wrdreg $0xC0  }
0xab: {  	_ =	task [dreg:s7], $0x5FFFF  }
0xac: {  	[dreg:$0x1] =	wrdreg $0xFFFFFFFF  }
0xad: {  	[dreg:$0x0] =	wrdreg $0x60  }
0xae: {  	[dreg:$0x2] =	wrdreg s2  }
0xaf: {  	[dreg:$0x3] =	wrdreg s24  }
0xb0: {  	[dreg:$0x4] =	wrdreg $0x9  }
0xb1: {  	_ =	task.clear_ibuf [dreg:s7], $0x5FFFF;
	_ =	strace $0x90000046  }
0xb2: {  	s29 =	simm.s32 $0x9;
	_ =	strace $0x80000048  }
0xb3: {  	_ =	swait.ge [sflag:s29], $0x1  }
0xb4: {  	[sflag:s29] =	ssyncadd.s32 $0xFFFFFFFF  }
0xb5: {  	_ =	strace $0x90000048  }
0xb6: {  	_ =	sfence  }
0xb7: {  	s30 =	sld [smem:$0x0];
	_ =	sdelay $0x2  }
0xb8: {  	s31 =	sshll.u32 s1, $0xD;
	s1 =	sshrl.u32 s1, $0x2  }
0xb9: {  	s3 =	sand.u32 $0x4000, s31;
	s1 =	sadd.s32 s1, s30  }
0xba: {  	s0 =	sor.u32 s3, s0;
	s1 =	sshll.u32 s1, $0x11  }
0xbb: {  	s0 =	sor.u32 s1, s0  }
0xbc: {  	s0 =	sadd.s32 $0x8F2B, s0  }
0xbd: {  	[sflag:s0] =	ssyncadd.remote.s32 $0x1  }
0xbe: {  	_ =	sfence.sel $0xFFFF  }
0xbf: {  	[dreg:$0x0] =	wrdreg $0xFFFFFFFF;
	(pc) =	sbr.abs _section_cstart, $3  }
0xc0: {  	[dreg:$0x1] =	wrdreg $0xFFFFFFFF  }
0xc1: {  	_ =	task.clear_ibuf [dreg:s7], $0x2FFFF;
	_ =	strace $0x9FFFFFFF  }
0xc2: {  	(tm) =	ssettm $0x7FFFFFFF  }
0xc3: {  	_ =	shalt  }
tec
execute0_lowered:
.L_overlay_start_1:
0x0: {  	(tag) =	ssettag $0x1  }
0x1: {  	v0 =	vlaneseq.u32;
	v2 =	vimm.f32 $0.0e+00;
	v7 =	vimm.s32 $0x74737271  }
0x2: {  	vm0 =	vcmask $0xF00;
	v9 =	vimm.s32 $0x78777675;
	v8 =	vunpack.c.0.s8.s32 v7  }
0x3: {  	v10 =	vimm.s32 $0x7C7B7A79;
	vm13 =	vcmask $0x1F10;
	v9 =	vunpack.c.0.s8.s32 v9  }
0x4: {  	s1 =	srdreg.scid;
	s0 =	stileid.u32;
	v11 =	vimm.s32 $0x7F7E7D;
	v10 =	vunpack.c.0.s8.s32 v10;
	v8 =	vnsel vm0, $0x400, v8  }
0x5: {  	s6 =	rddreg [dreg:$0x1];
	s3 =	simm.s32 $0x0;
	vm14 =	vcmask $0x2F20;
	s8 =	simm.s32 $0x2;
	v11 =	vunpack.c.0.s8.s32 v11;
	v9 =	vsel vm13, v9, v8  }
0x6: {  	vm15 =	vcmask $0x3B30;
	v12 =	vimm.s32 $0x40;
	s9 =	simm.s32 $0x0;
	s4 =	sand.u32 $0x1, s1;
	s1 =	rddreg [dreg:$0x0];
	v10 =	vsel vm14, v10, v9  }
0x7: {  	v14 =	vimm.s32 $0x0;
	s30 =	sshll.u32 s0, $0x8;
	[smem:$0x7FF] =	sst s3;
	s2 =	sshll.u32 s4, $0x7;
	v10 =	vsel vm15, v11, v10;
	v11 =	vimm.s32 $0x3F  }
0x8: {  	v16 =	vimm.f32 $1.000000000e+00;
	v3 =	vor.u32 $0x10, v0;
	v4 =	vor.u32 $0x20, v0;
	s4 =	ssub.s32 $0x2, s4;
	s5 =	sor.u32 s2, s30;
	s2 =	rddreg [dreg:$0x2]  }
0x9: {  	v5 =	vor.u32 $0x30, v0;
	v6 =	vor.u32 $0x40, v0;
	s7 =	sshrl.u32 s4, $0x1;
	_ =	strace $0x80000047;
	v1 =	vor.u32 s5, v0;
	s5 =	sshll.u32 s5, $0x5  }
0xa: {  	v7 =	vor.u32 $0x50, v0;
	v13 =	vmul.u32 $0x100, v0;
	v15 =	vand.u32 $0x7, v0;
	s31 =	ssub.s32 s4, s7;
	s7 =	simm.s32 $0x1;
	s5 =	sadd.s32 s5, s6  }
0xb: {  	v15 =	vmul.u32 $0x80, v15;
	v8 =	vor.u32 $0x60, v0;
	v9 =	vor.u32 $0x70, v0;
	s6 =	simm.s32 $0x80;
	s4 =	sadd.s32 $0x400, s5;
	s5 =	smax.u32 s31, $0x1  }
.LBB2_1:
0xc: {  	v17 =	vmov s3  }
0xd: {  	v18 =	vshll.u32 v17, $0x8;
	v17 =	vshll.u32 v17, $0x7  }
0xe: {  	v18 =	vand.u32 $0x7800, v18;
	v17 =	vand.u32 $0x200, v17  }
0xf: {  	v19 =	vor.u32 v17, v18  }
0x10: {  	v20 =	vor.u32 v0, v19  }
0x11: {  	v21 =	vor.u32 v3, v19  }
0x12: {  	v22 =	vor.u32 v4, v19  }
0x13: {  	v23 =	vor.u32 v5, v19  }
0x14: {  	[tilespmem:s3], [sflag:$0x1] =	stream.linear.gather [hbm4b:s1+s3], $0x80, $0x38;
	v24 =	vor.u32 v6, v19;
	[tilespmem:$0x8080] =	vst v63  }
0x15: {  	[tilespmem:v20+s6+$0x0] =	vst.idx.msk $0xffff, v2;
	v20 =	vor.u32 v7, v19  }
0x16: {  	[tilespmem:v21+s6+$0x0] =	vst.idx.msk $0xffff, v2;
	v21 =	vor.u32 v8, v19  }
0x17: {  	v25 =	vor.u32 v10, v18;
	v26 =	vor.u32 $0x80, v17;
	v19 =	vor.u32 v9, v19;
	[tilespmem:v22+s6+$0x0] =	vst.idx.msk $0xffff, v2  }
0x18: {  	v27 =	vor.u32 v18, v26;
	v22 =	vor.u32 v17, v25;
	[tilespmem:v23+s6+$0x0] =	vst.idx.msk $0xffff, v2  }
0x19: {  	v23 =	vor.u32 v0, v27;
	[tilespmem:v24+s6+$0x0] =	vst.idx.msk $0xffff, v2  }
0x1a: {  	[tilespmem:v20+s6+$0x0] =	vst.idx.msk $0xffff, v2;
	v20 =	vor.u32 v3, v27  }
0x1b: {  	[tilespmem:v21+s6+$0x0] =	vst.idx.msk $0xffff, v2;
	v21 =	vor.u32 v4, v27  }
0x1c: {  	[tilespmem:v19+s6+$0x0] =	vst.idx.msk $0xffff, v2;
	v19 =	vor.u32 v5, v27  }
0x1d: {  	[tilespmem:v22+s6+$0x0] =	vst.idx.msk $0xffff, v2;
	v22 =	vor.u32 v6, v27  }
0x1e: {  	[tilespmem:v23+s6+$0x0] =	vst.idx.msk $0xffff, v2;
	v23 =	vor.u32 v7, v27  }
0x1f: {  	[tilespmem:v20+s6+$0x0] =	vst.idx.msk $0xffff, v2;
	v20 =	vor.u32 v8, v27  }
0x20: {  	v24 =	vor.u32 $0x100, v17;
	[tilespmem:v21+s6+$0x0] =	vst.idx.msk $0xffff, v2;
	v21 =	vor.u32 v9, v27  }
0x21: {  	v26 =	vor.u32 v26, v25;
	v27 =	vor.u32 v18, v24;
	[tilespmem:v19+s6+$0x0] =	vst.idx.msk $0xffff, v2  }
0x22: {  	v19 =	vor.u32 v0, v27;
	[tilespmem:v22+s6+$0x0] =	vst.idx.msk $0xffff, v2  }
0x23: {  	v22 =	vor.u32 v3, v27;
	[tilespmem:v23+s6+$0x0] =	vst.idx.msk $0xffff, v2  }
0x24: {  	[tilespmem:v20+s6+$0x0] =	vst.idx.msk $0xffff, v2;
	v20 =	vor.u32 v4, v27  }
0x25: {  	[tilespmem:v21+s6+$0x0] =	vst.idx.msk $0xffff, v2;
	v21 =	vor.u32 v5, v27  }
0x26: {  	v23 =	vor.u32 v6, v27;
	[tilespmem:v26+s6+$0x0] =	vst.idx.msk $0xffff, v2  }
0x27: {  	v26 =	vor.u32 v7, v27;
	[tilespmem:v19+s6+$0x0] =	vst.idx.msk $0xffff, v2  }
0x28: {  	[tilespmem:v22+s6+$0x0] =	vst.idx.msk $0xffff, v2;
	v22 =	vor.u32 v8, v27  }
0x29: {  	v17 =	vor.u32 $0x180, v17;
	[tilespmem:v20+s6+$0x0] =	vst.idx.msk $0xffff, v2;
	v20 =	vor.u32 v9, v27  }
0x2a: {  	v19 =	vor.u32 v18, v17;
	v27 =	vor.u32 v24, v25;
	[tilespmem:v21+s6+$0x0] =	vst.idx.msk $0xffff, v2  }
0x2b: {  	[tilespmem:v23+s6+$0x0] =	vst.idx.msk $0xffff, v2;
	v23 =	vor.u32 v0, v19  }
0x2c: {  	v24 =	vor.u32 v3, v19;
	[tilespmem:v26+s6+$0x0] =	vst.idx.msk $0xffff, v2  }
0x2d: {  	[tilespmem:v22+s6+$0x0] =	vst.idx.msk $0xffff, v2;
	v22 =	vor.u32 v4, v19  }
0x2e: {  	v17 =	vor.u32 v17, v25;
	v21 =	vor.u32 v5, v19;
	[tilespmem:v20+s6+$0x0] =	vst.idx.msk $0xffff, v2  }
0x2f: {  	s10 =	simm.s32 $0x4;
	v18 =	vor.u32 v7, v19;
	v20 =	vor.u32 v6, v19;
	[tilespmem:v27+s6+$0x0] =	vst.idx.msk $0xffff, v2  }
.LBB2_2:
0x30: {  	v25 =	vmov s10;
	p0 =	sne.s32 s10, $0x7C;
	s10 =	sadd.s32 $0x4, s10;
	[tilespmem:v23+s6+$0x0] =	vst.idx.msk $0xffff, v2  }
0x31: {  	v23 =	vshll.u32 v25, $0x8;
	v25 =	vshll.u32 v25, $0x7;
	[tilespmem:v24+s6+$0x0] =	vst.idx.msk $0xffff, v2;
	v24 =	vor.u32 v8, v19  }
0x32: {  	v19 =	vor.u32 v9, v19;
	v23 =	vand.u32 $0x7800, v23;
	v25 =	vand.u32 $0x200, v25;
	[tilespmem:v22+s6+$0x0] =	vst.idx.msk $0xffff, v2  }
0x33: {  	v22 =	vor.u32 v25, v23;
	v26 =	vor.u32 v10, v23;
	v27 =	vor.u32 $0x80, v25;
	[tilespmem:v21+s6+$0x0] =	vst.idx.msk $0xffff, v2  }
0x34: {  	v29 =	vor.u32 $0x100, v25;
	v21 =	vor.u32 v0, v22;
	v28 =	vor.u32 v25, v26;
	[tilespmem:v20+s6+$0x0] =	vst.idx.msk $0xffff, v2  }
0x35: {  	v20 =	vor.u32 v3, v22;
	v30 =	vor.u32 v23, v27;
	v25 =	vor.u32 $0x180, v25;
	[tilespmem:v18+s6+$0x0] =	vst.idx.msk $0xffff, v2  }
0x36: {  	v31 =	vor.u32 v4, v22;
	v27 =	vor.u32 v27, v26;
	[tilespmem:v24+s6+$0x0] =	vst.idx.msk $0xffff, v2  }
0x37: {  	v32 =	vor.u32 v23, v29;
	v24 =	vor.u32 v5, v22;
	[tilespmem:v19+s6+$0x0] =	vst.idx.msk $0xffff, v2  }
0x38: {  	v33 =	vor.u32 v6, v22;
	v29 =	vor.u32 v29, v26;
	[tilespmem:v17+s6+$0x0] =	vst.idx.msk $0xffff, v2  }
0x39: {  	v19 =	vor.u32 v23, v25;
	[tilespmem:v21+s6+$0x0] =	vst.idx.msk $0xffff, v2;
	v21 =	vor.u32 v7, v22  }
0x3a: {  	v18 =	vor.u32 v7, v19;
	[tilespmem:v20+s6+$0x0] =	vst.idx.msk $0xffff, v2;
	v20 =	vor.u32 v8, v22  }
0x3b: {  	v17 =	vor.u32 v25, v26;
	v22 =	vor.u32 v9, v22;
	[tilespmem:v31+s6+$0x0] =	vst.idx.msk $0xffff, v2  }
0x3c: {  	[tilespmem:v24+s6+$0x0] =	vst.idx.msk $0xffff, v2  }
0x3d: {  	v23 =	vor.u32 v0, v30;
	[tilespmem:v33+s6+$0x0] =	vst.idx.msk $0xffff, v2  }
0x3e: {  	[tilespmem:v21+s6+$0x0] =	vst.idx.msk $0xffff, v2;
	v21 =	vor.u32 v3, v30  }
0x3f: {  	[tilespmem:v20+s6+$0x0] =	vst.idx.msk $0xffff, v2;
	v20 =	vor.u32 v4, v30  }
0x40: {  	[tilespmem:v22+s6+$0x0] =	vst.idx.msk $0xffff, v2;
	v22 =	vor.u32 v5, v30  }
0x41: {  	v24 =	vor.u32 v6, v30;
	[tilespmem:v28+s6+$0x0] =	vst.idx.msk $0xffff, v2  }
0x42: {  	[tilespmem:v23+s6+$0x0] =	vst.idx.msk $0xffff, v2;
	v23 =	vor.u32 v7, v30  }
0x43: {  	[tilespmem:v21+s6+$0x0] =	vst.idx.msk $0xffff, v2;
	v21 =	vor.u32 v8, v30  }
0x44: {  	[tilespmem:v20+s6+$0x0] =	vst.idx.msk $0xffff, v2;
	v20 =	vor.u32 v9, v30  }
0x45: {  	[tilespmem:v22+s6+$0x0] =	vst.idx.msk $0xffff, v2  }
0x46: {  	v22 =	vor.u32 v0, v32;
	[tilespmem:v24+s6+$0x0] =	vst.idx.msk $0xffff, v2  }
0x47: {  	[tilespmem:v23+s6+$0x0] =	vst.idx.msk $0xffff, v2;
	v23 =	vor.u32 v3, v32  }
0x48: {  	[tilespmem:v21+s6+$0x0] =	vst.idx.msk $0xffff, v2;
	v21 =	vor.u32 v4, v32  }
0x49: {  	[tilespmem:v20+s6+$0x0] =	vst.idx.msk $0xffff, v2;
	v20 =	vor.u32 v5, v32  }
0x4a: {  	v24 =	vor.u32 v6, v32;
	[tilespmem:v27+s6+$0x0] =	vst.idx.msk $0xffff, v2  }
0x4b: {  	[tilespmem:v22+s6+$0x0] =	vst.idx.msk $0xffff, v2;
	v22 =	vor.u32 v7, v32  }
0x4c: {  	v25 =	vor.u32 v8, v32;
	[tilespmem:v23+s6+$0x0] =	vst.idx.msk $0xffff, v2  }
0x4d: {  	[tilespmem:v21+s6+$0x0] =	vst.idx.msk $0xffff, v2;
	v21 =	vor.u32 v9, v32  }
0x4e: {  	[tilespmem:v20+s6+$0x0] =	vst.idx.msk $0xffff, v2  }
.Ltmp0:
0x4f: {  	v23 =	vor.u32 v0, v19;
	[tilespmem:v24+s6+$0x0] =	vst.idx.msk $0xffff, v2;
	(pc) =	sbr.rel @p0 .LBB2_2-.Ltmp0, $4  }
0x50: {  	v24 =	vor.u32 v3, v19;
	[tilespmem:v22+s6+$0x0] =	vst.idx.msk $0xffff, v2  }
0x51: {  	v22 =	vor.u32 v4, v19;
	[tilespmem:v25+s6+$0x0] =	vst.idx.msk $0xffff, v2  }
0x52: {  	[tilespmem:v21+s6+$0x0] =	vst.idx.msk $0xffff, v2;
	v21 =	vor.u32 v5, v19  }
0x53: {  	v20 =	vor.u32 v6, v19;
	[tilespmem:v29+s6+$0x0] =	vst.idx.msk $0xffff, v2  }
0x54: {  	_ =	sdelay $0x3  }
0x55: {  	[tilespmem:v23+s6+$0x0] =	vst.idx.msk $0xffff, v2  }
0x56: {  	v63 =	vor.u32 v8, v19;
	[tilespmem:v24+s6+$0x0] =	vst.idx.msk $0xffff, v2  }
0x57: {  	v19 =	vor.u32 v9, v19;
	[tilespmem:v22+s6+$0x0] =	vst.idx.msk $0xffff, v2  }
0x58: {  	[tilespmem:v21+s6+$0x0] =	vst.idx.msk $0xffff, v2  }
0x59: {  	[tilespmem:v20+s6+$0x0] =	vst.idx.msk $0xffff, v2  }
0x5a: {  	[tilespmem:v18+s6+$0x0] =	vst.idx.msk $0xffff, v2  }
0x5b: {  	[tilespmem:v63+s6+$0x0] =	vst.idx.msk $0xffff, v2  }
0x5c: {  	[tilespmem:v19+s6+$0x0] =	vst.idx.msk $0xffff, v2  }
0x5d: {  	[tilespmem:v17+s6+$0x0] =	vst.idx.msk $0xffff, v2  }
0x5e: {  	_ =	swait.ge [sflag:s7], $0x80  }
0x5f: {  	[sflag:s7] =	ssyncset.done $0x0  }
0x60: {  	s10 =	simm.s32 $0x0;
	[sflag:s7] =	ssyncadd.s32 $0xFFFFFF80  }
.LBB2_4:
0x61: {  	v17 =	vld.idx.msk [tilespmem:v11+s3+$0x0], $0xffff;
	_ =	sdelay $0x3  }
0x62: {  	v18 =	vor.u32 s10, v1  }
0x63: {  	vm0 =	vgt.s32 v17, v18  }
0x64: {  	v17 =	vsel vm0, $0x0, v12  }
0x65: {  	v19 =	vor.u32 $0x1F, v17;
	_ =	sdelay $0x4  }
0x66: {  	v19 =	vld.idx.msk [tilespmem:v19+s3+$0x0], $0xffff;
	_ =	sdelay $0x4  }
0x67: {  	vm9 =	vgt.s32 v19, v18;
	v19 =	vor.u32 $0x20, v17  }
0x68: {  	v17 =	vsel vm9, v17, v19  }
0x69: {  	v19 =	vor.u32 $0xF, v17;
	_ =	sdelay $0x4  }
0x6a: {  	v19 =	vld.idx.msk [tilespmem:v19+s3+$0x0], $0xffff;
	_ =	sdelay $0x4  }
0x6b: {  	vm10 =	vgt.s32 v19, v18;
	v19 =	vor.u32 $0x10, v17  }
0x6c: {  	v17 =	vsel vm10, v17, v19  }
0x6d: {  	v19 =	vor.u32 $0x7, v17;
	_ =	sdelay $0x4  }
0x6e: {  	v19 =	vld.idx.msk [tilespmem:v19+s3+$0x0], $0xffff;
	_ =	sdelay $0x4  }
0x6f: {  	vm11 =	vgt.s32 v19, v18;
	v19 =	vor.u32 $0x8, v17  }
0x70: {  	v17 =	vsel vm11, v17, v19  }
0x71: {  	v19 =	vadd.s32 $0x3, v17;
	_ =	sdelay $0x4  }
0x72: {  	v19 =	vld.idx.msk [tilespmem:v19+s3+$0x0], $0xffff;
	_ =	sdelay $0x4  }
0x73: {  	vm12 =	vgt.s32 v19, v18;
	v19 =	vadd.s32 $0x4, v17  }
0x74: {  	v17 =	vsel vm12, v17, v19  }
0x75: {  	v19 =	vadd.s32 $0x1, v17;
	_ =	sdelay $0x4  }
0x76: {  	v19 =	vld.idx.msk [tilespmem:v19+s3+$0x0], $0xffff;
	_ =	sdelay $0x4  }
0x77: {  	vm13 =	vgt.s32 v19, v18;
	v19 =	vadd.s32 $0x2, v17  }
0x78: {  	v17 =	vsel vm13, v17, v19;
	_ =	sdelay $0x4  }
0x79: {  	v19 =	vld.idx.msk [tilespmem:v17+s3+$0x0], $0xffff;
	_ =	sdelay $0x4  }
0x7a: {  	vm14 =	vle.s32 v19, v18  }
0x7b: {  	v19 =	vsel vm14, $0x1, v14  }
0x7c: {  	v17 =	vadd.s32 v19, v17;
	_ =	sdelay $0x4  }
0x7d: {  	v19 =	vld.idx.msk [tilespmem:v17+s3+$0x0], $0xffff;
	_ =	sdelay $0x4  }
0x7e: {  	vm15 =	vle.s32 v19, v18  }
0x7f: {  	v18 =	vmov s10;
	v19 =	vsel vm15, $0x1, v14  }
0x80: {  	v18 =	vshll.u32 v18, $0x8;
	v17 =	vadd.s32 v19, v17  }
0x81: {  	v18 =	vor.u32 v13, v18;
	v19 =	vshll.u32 v17, $0x3  }
0x82: {  	v18 =	vand.u32 $0x7800, v18;
	v19 =	vand.u32 $0x7FFFFC00, v19  }
0x83: {  	v17 =	vand.u32 $0x7F, v17;
	v18 =	vadd.s32 v18, v19  }
0x84: {  	v17 =	vor.u32 v17, v18  }
0x85: {  	p0 =	sne.s32 s10, $0x70;
	v17 =	vor.u32 v15, v17  }
.Ltmp1:
0x86: {  	_ = 	snop;
	(pc) =	sbr.rel @p0 .LBB2_4-.Ltmp1, $2  }
0x87: {  	_ =	sdelay $0x2  }
0x88: {  	s10 =	sadd.s32 $0x10, s10;
	[tilespmem:v17+s6+$0x0] =	vst.idx.msk $0xffff, v16  }
0x89: {  	s9 =	sadd.s32 $0x1, s9  }
0x8a: {  	p0 =	sne.s32 s9, s5  }
.Ltmp2:
0x8b: {  	_ = 	snop;
	(pc) =	sbr.rel @p0 .LBB2_1-.Ltmp2, $4  }
0x8c: {  	[hbm4b:s4+s3] =	stream.linear.scatter [tilespmem:s6], [sflag:$0x2], $0x8000, $0x38;
	[tilespmem:$0x8080] =	vst v63  }
0x8d: {  	_ =	swait.ge [sflag:s8], $0x8000  }
0x8e: {  	[sflag:s8] =	ssyncset.done $0x0  }
0x8f: {  	[sflag:s8] =	ssyncadd.s32 $0xFFFF8000  }
0x90: {  	_ =	sfence.sel $0x180000  }
0x91: {  	[bflag:$0x0] =	sbarrier.arrive $0xFFFF  }
0x92: {  	p0 =	sne.s32 s0, $0x0;
	_ =	strace $0x90000047  }
0x93: {  	s0 =	sadd.s32 @!p0 $0x100000, s2;
	[bflag:$0x2] =	sbarrier.arrive $0xFFFF  }
0x94: {  	[sflag:s0] =	ssyncadd.tile.s32 @!p0 $0x1;
	_ =	shalt  }
.Lfunc_end2:
_tile_overlayer_lowered:
.L_overlay_start_2:
0x95: {  	(tag) =	ssettag $0x2  }
0x96: {  	s0 =	rddreg [dreg:$0x0];
	s2 =	stileid.u32  }
0x97: {  	s1 =	rddreg [dreg:$0x1];
	p0 =	sne.s32 s2, $0x0  }
0x98: {  	s3 =	rddreg [dreg:$0x2];
	[bflag:$0x3] =	sbarrier.arrive $0xFFFF;
	s2 =	simm.s32 @!p0 $0x1C02  }
0x99: {  	[timem:s3], [sflag:s2] =	dma.local @!p0 [hbm:s0], s1  }
0x9a: {  	s0 =	simm.s32 @!p0 $0x2  }
0x9b: {  	_ =	swait.ge @!p0 [sflag:s0], s1  }
0x9c: {  	s1 =	ssub.s32 @!p0 $0x0, s1;
	[sflag:s0] =	ssyncset.done @!p0 $0x0  }
0x9d: {  	[sflag:s0] =	ssyncadd.s32 @!p0 s1  }
0x9e: {  	[bflag:$0x3] =	sbarrier.arrive $0xFFFF  }
0x9f: {  	_ =	shalt  }

</sc_bundles>
